<compile_context>
chip_gen: v7x
topology: tpu7x:2x2x1
jax: 0.10.2.dev20260603
libtpu: 0.0.44.dev20260713+nightly
codegen_flags: <defaults>
</compile_context>

<pallas_src>
import jax
import jax.numpy as jnp
from jax import lax
from jax.experimental import pallas as pl
from jax.experimental.pallas import tpu as pltpu
from jax.experimental.pallas import tpu_sc as plsc

_DIM = 128
_SEQ = 1000
_ROWS = 64
_LAST_BASE = _SEQ - _ROWS


def _body(x_hbm, wl_hbm, wp_hbm, out_hbm, idx_v, rows_v, pos_v, sem, sem_pos):
    wid = lax.axis_index("s")
    base = lax.min(wid * _ROWS, _LAST_BASE)

    pos_cp = pltpu.async_copy(wp_hbm.at[pl.ds(base, _ROWS)], pos_v, sem_pos)
    pltpu.sync_copy(x_hbm.at[pl.ds(base, _ROWS)], idx_v)
    gather = pltpu.async_copy(wl_hbm.at[idx_v], rows_v, sem)
    pos_cp.wait()
    gather.wait()

    def add_row(r, carry):
        for c in range(_DIM // 16):
            sl = pl.ds(c * 16, 16)
            rows_v[r, sl] = rows_v[r, sl] + pos_v[r, sl]
        return carry

    lax.fori_loop(0, _ROWS, add_row, 0)
    pltpu.sync_copy(rows_v, out_hbm.at[pl.ds(base, _ROWS)])


@jax.jit
def kernel(x, W_lettre, W_pos):
    mesh = plsc.VectorSubcoreMesh(core_axis_name="c", subcore_axis_name="s",
                                  num_cores=1)
    f = pl.kernel(
        _body,
        mesh=mesh,
        out_type=jax.ShapeDtypeStruct((_SEQ, _DIM), jnp.float32),
        scratch_types=[
            pltpu.VMEM((_ROWS,), jnp.int32),
            pltpu.VMEM((_ROWS, _DIM), jnp.float32),
            pltpu.VMEM((_ROWS, _DIM), jnp.float32),
            pltpu.SemaphoreType.DMA,
            pltpu.SemaphoreType.DMA,
        ],
    )
    return f(x, W_lettre, W_pos)

# --- scband reference (transcript-rebuilt; emitter-appended) ---
"""Pipeline reference for scband-embedding-81389630259346 (READ-ONLY COPY).

The authoritative reference and input builder live on the scoring server;
editing this copy changes nothing except your own understanding.
"""

import jax, jax.numpy as jnp
import numpy as np

VOCAB = 1000
DIM = 128
SEQ = 1000


def setup_inputs(seed: int = 0) -> dict:
    key = jax.random.key(seed)
    k1, k2, k3 = jax.random.split(key, 3)
    x = jax.random.randint(k1, (SEQ,), 0, VOCAB, dtype=jnp.int32)
    W_lettre = jax.random.normal(k2, (VOCAB, DIM), dtype=jnp.float32)
    W_pos = jax.random.normal(k3, (VOCAB, DIM), dtype=jnp.float32)
    return {"x": x, "W_lettre": W_lettre, "W_pos": W_pos}


def reference(x, W_lettre, W_pos):
    # y1 = embedLettre(x)
    y1 = jnp.take(W_lettre, x, axis=0)
    # position = arange(len(x)); y2 = embedPosition(position)
    position = jnp.arange(x.shape[0])
    y2 = jnp.take(W_pos, position, axis=0)
    return y1 + y2

if __name__ == "__main__":
    import jax
    _d = setup_inputs()
    print(jax.jit(kernel)(*tuple(_d.values())))

</pallas_src>

<mosaic_0001>
#map = affine_map<(d0, d1) -> (0)>
#map1 = affine_map<(d0, d1) -> (0, 0)>
module attributes {stable_mosaic.version = 14 : i64} {
  func.func @_body(%arg0: i32, %arg1: i32, %arg2: memref<1000xi32, #tpu.memory_space<hbm>>, %arg3: memref<1000x128xf32, #tpu.memory_space<hbm>>, %arg4: memref<1000x128xf32, #tpu.memory_space<hbm>>, %arg5: memref<1000x128xf32, #tpu.memory_space<hbm>>, %arg6: memref<64xi32, #tpu.memory_space<vmem>>, %arg7: memref<64x128xf32, #tpu.memory_space<vmem>>, %arg8: memref<64x128xf32, #tpu.memory_space<vmem>>, %arg9: memref<!tpu.dma_semaphore, #tpu.memory_space<semaphore_mem>>, %arg10: memref<!tpu.dma_semaphore, #tpu.memory_space<semaphore_mem>>) attributes {dimension_semantics = [#tpu.dimension_semantics<core_parallel>, #tpu.dimension_semantics<subcore_parallel>], iteration_bounds = array<i64: 1, 16>, scalar_prefetch = 0 : i64, scratch_operands = 5 : i64, tpu.core_type = #tpu.core_type<sc_vector_subcore>, window_params = [{transform_indices = #map}, {transform_indices = #map1}, {transform_indices = #map1}, {transform_indices = #map1}]} {
    %mul3A = arith.constant 64 : i32
    %mul3A_0 = arith.muli %arg1, %mul3A : i32
    %min3A = arith.constant 936 : i32
    %min3A_1 = arith.minsi %mul3A_0, %min3A : i32
    %dma_start3A = arith.constant 0 : i32
    %dma_start3A_2 = tpu.memref_slice %arg4[%min3A_1, %dma_start3A] : memref<1000x128xf32, #tpu.memory_space<hbm>> -> memref<64x128xf32, #tpu.memory_space<hbm>>
    %dma_start3A_3 = arith.constant 0 : i32
    %dma_start3A_4 = tpu.memref_slice %arg4[%min3A_1, %dma_start3A_3] : memref<1000x128xf32, #tpu.memory_space<hbm>> -> memref<64x128xf32, #tpu.memory_space<hbm>>
    tpu.enqueue_dma source(%dma_start3A_4 : memref<64x128xf32, #tpu.memory_space<hbm>>) target(%arg8 : memref<64x128xf32, #tpu.memory_space<vmem>>) target_semaphore(%arg10 : memref<!tpu.dma_semaphore, #tpu.memory_space<semaphore_mem>>)
    "tpu.region"() ({
      %run_scoped3A = tpu.sem_alloc : memref<!tpu.dma_semaphore, #tpu.memory_space<semaphore_mem>>
      %dma_start3A_19 = tpu.memref_slice %arg2[%min3A_1] : memref<1000xi32, #tpu.memory_space<hbm>> -> memref<64xi32, #tpu.memory_space<hbm>>
      %dma_start3A_20 = tpu.memref_slice %arg2[%min3A_1] : memref<1000xi32, #tpu.memory_space<hbm>> -> memref<64xi32, #tpu.memory_space<hbm>>
      tpu.enqueue_dma source(%dma_start3A_20 : memref<64xi32, #tpu.memory_space<hbm>>) target(%arg6 : memref<64xi32, #tpu.memory_space<vmem>>) target_semaphore(%run_scoped3A : memref<!tpu.dma_semaphore, #tpu.memory_space<semaphore_mem>>)
      %dma_wait3A_21 = tpu.memref_slice %arg2[%min3A_1] : memref<1000xi32, #tpu.memory_space<hbm>> -> memref<64xi32, #tpu.memory_space<hbm>>
      %dma_wait3A_22 = tpu.memref_slice %arg2[%min3A_1] : memref<1000xi32, #tpu.memory_space<hbm>> -> memref<64xi32, #tpu.memory_space<hbm>>
      tpu.wait_dma2 semaphore(%run_scoped3A : memref<!tpu.dma_semaphore, #tpu.memory_space<semaphore_mem>>) src(%dma_wait3A_22 : memref<64xi32, #tpu.memory_space<hbm>>) dst(%arg6 : memref<64xi32, #tpu.memory_space<vmem>>)
      tpu.yield
    }) : () -> ()
    %dma_start3A_5 = arith.constant 0 : i32
    %dma_start3A_6 = arith.constant 0 : i32
    %dma_start3A_7 = tpu.memref_slice %arg3[%dma_start3A_5, %dma_start3A_6] : memref<1000x128xf32, #tpu.memory_space<hbm>> -> memref<1000x128xf32, #tpu.memory_space<hbm>>
    tpu.enqueue_indirect_dma source(%dma_start3A_7 : memref<1000x128xf32, #tpu.memory_space<hbm>>) target(%arg7 : memref<64x128xf32, #tpu.memory_space<vmem>>) offsets(%arg6 : memref<64xi32, #tpu.memory_space<vmem>>) semaphore(%arg9 : memref<!tpu.dma_semaphore, #tpu.memory_space<semaphore_mem>>)
    %dma_wait3A = arith.constant 0 : i32
    %dma_wait3A_8 = tpu.memref_slice %arg4[%min3A_1, %dma_wait3A] : memref<1000x128xf32, #tpu.memory_space<hbm>> -> memref<64x128xf32, #tpu.memory_space<hbm>>
    %dma_wait3A_9 = arith.constant 0 : i32
    %dma_wait3A_10 = tpu.memref_slice %arg4[%min3A_1, %dma_wait3A_9] : memref<1000x128xf32, #tpu.memory_space<hbm>> -> memref<64x128xf32, #tpu.memory_space<hbm>>
    tpu.wait_dma2 semaphore(%arg10 : memref<!tpu.dma_semaphore, #tpu.memory_space<semaphore_mem>>) src(%dma_wait3A_10 : memref<64x128xf32, #tpu.memory_space<hbm>>) dst(%arg8 : memref<64x128xf32, #tpu.memory_space<vmem>>)
    %dma_wait3A_11 = arith.constant 0 : i32
    %dma_wait3A_12 = arith.constant 0 : i32
    %dma_wait3A_13 = tpu.memref_slice %arg3[%dma_wait3A_11, %dma_wait3A_12] : memref<1000x128xf32, #tpu.memory_space<hbm>> -> memref<1000x128xf32, #tpu.memory_space<hbm>>
    tpu.wait_indirect_dma semaphore(%arg9 : memref<!tpu.dma_semaphore, #tpu.memory_space<semaphore_mem>>) src(%dma_wait3A_13 : memref<1000x128xf32, #tpu.memory_space<hbm>>) dst(%arg7 : memref<64x128xf32, #tpu.memory_space<vmem>>)
    %scan3A = arith.constant 0 : i32
    %scan3A_14 = arith.constant 0 : i32
    %scan3A_15 = arith.constant 64 : i32
    %scan3A_16 = arith.addi %scan3A_14, %scan3A_15 : i32
    %scan3A_17 = arith.constant 1 : i32
    scf.for %scan3A_19 = %scan3A_14 to %scan3A_16 step %scan3A_17  : i32 {
      %get3A = arith.index_cast %scan3A_19 : i32 to index
      %get3A_20 = arith.constant 0 : index
      %get3A_21 = tpu.vector_load %arg7[%get3A, %get3A_20] {strides = array<i32>} : memref<64x128xf32, #tpu.memory_space<vmem>>, vector<1x16xf32>,
      %get3A_22 = vector.shape_cast %get3A_21 : vector<1x16xf32> to vector<16xf32>
      %get3A_23 = arith.index_cast %scan3A_19 : i32 to index
      %get3A_24 = arith.constant 0 : index
      %get3A_25 = tpu.vector_load %arg8[%get3A_23, %get3A_24] {strides = array<i32>} : memref<64x128xf32, #tpu.memory_space<vmem>>, vector<1x16xf32>,
      %get3A_26 = vector.shape_cast %get3A_25 : vector<1x16xf32> to vector<16xf32>
      %add3A = arith.addf %get3A_22, %get3A_26 : vector<16xf32>
      %swap3A = arith.index_cast %scan3A_19 : i32 to index
      %swap3A_27 = arith.constant 0 : index
      %swap3A_28 = tpu.vector_load %arg7[%swap3A, %swap3A_27] {strides = array<i32>} : memref<64x128xf32, #tpu.memory_space<vmem>>, vector<1x16xf32>,
      %swap3A_29 = vector.shape_cast %swap3A_28 : vector<1x16xf32> to vector<16xf32>
      %swap3A_30 = vector.shape_cast %add3A : vector<16xf32> to vector<1x16xf32>
      tpu.vector_store %arg7[%swap3A, %swap3A_27], %swap3A_30 {strides = array<i32>} : memref<64x128xf32, #tpu.memory_space<vmem>>, vector<1x16xf32>,
      %get3A_31 = arith.index_cast %scan3A_19 : i32 to index
      %get3A_32 = arith.constant 16 : index
      %get3A_33 = tpu.vector_load %arg7[%get3A_31, %get3A_32] {strides = array<i32>} : memref<64x128xf32, #tpu.memory_space<vmem>>, vector<1x16xf32>,
      %get3A_34 = vector.shape_cast %get3A_33 : vector<1x16xf32> to vector<16xf32>
      %get3A_35 = arith.index_cast %scan3A_19 : i32 to index
      %get3A_36 = arith.constant 16 : index
      %get3A_37 = tpu.vector_load %arg8[%get3A_35, %get3A_36] {strides = array<i32>} : memref<64x128xf32, #tpu.memory_space<vmem>>, vector<1x16xf32>,
      %get3A_38 = vector.shape_cast %get3A_37 : vector<1x16xf32> to vector<16xf32>
      %add3A_39 = arith.addf %get3A_34, %get3A_38 : vector<16xf32>
      %swap3A_40 = arith.index_cast %scan3A_19 : i32 to index
      %swap3A_41 = arith.constant 16 : index
      %swap3A_42 = tpu.vector_load %arg7[%swap3A_40, %swap3A_41] {strides = array<i32>} : memref<64x128xf32, #tpu.memory_space<vmem>>, vector<1x16xf32>,
      %swap3A_43 = vector.shape_cast %swap3A_42 : vector<1x16xf32> to vector<16xf32>
      %swap3A_44 = vector.shape_cast %add3A_39 : vector<16xf32> to vector<1x16xf32>
      tpu.vector_store %arg7[%swap3A_40, %swap3A_41], %swap3A_44 {strides = array<i32>} : memref<64x128xf32, #tpu.memory_space<vmem>>, vector<1x16xf32>,
      %get3A_45 = arith.index_cast %scan3A_19 : i32 to index
      %get3A_46 = arith.constant 32 : index
      %get3A_47 = tpu.vector_load %arg7[%get3A_45, %get3A_46] {strides = array<i32>} : memref<64x128xf32, #tpu.memory_space<vmem>>, vector<1x16xf32>,
      %get3A_48 = vector.shape_cast %get3A_47 : vector<1x16xf32> to vector<16xf32>
      %get3A_49 = arith.index_cast %scan3A_19 : i32 to index
      %get3A_50 = arith.constant 32 : index
      %get3A_51 = tpu.vector_load %arg8[%get3A_49, %get3A_50] {strides = array<i32>} : memref<64x128xf32, #tpu.memory_space<vmem>>, vector<1x16xf32>,
      %get3A_52 = vector.shape_cast %get3A_51 : vector<1x16xf32> to vector<16xf32>
      %add3A_53 = arith.addf %get3A_48, %get3A_52 : vector<16xf32>
      %swap3A_54 = arith.index_cast %scan3A_19 : i32 to index
      %swap3A_55 = arith.constant 32 : index
      %swap3A_56 = tpu.vector_load %arg7[%swap3A_54, %swap3A_55] {strides = array<i32>} : memref<64x128xf32, #tpu.memory_space<vmem>>, vector<1x16xf32>,
      %swap3A_57 = vector.shape_cast %swap3A_56 : vector<1x16xf32> to vector<16xf32>
      %swap3A_58 = vector.shape_cast %add3A_53 : vector<16xf32> to vector<1x16xf32>
      tpu.vector_store %arg7[%swap3A_54, %swap3A_55], %swap3A_58 {strides = array<i32>} : memref<64x128xf32, #tpu.memory_space<vmem>>, vector<1x16xf32>,
      %get3A_59 = arith.index_cast %scan3A_19 : i32 to index
      %get3A_60 = arith.constant 48 : index
      %get3A_61 = tpu.vector_load %arg7[%get3A_59, %get3A_60] {strides = array<i32>} : memref<64x128xf32, #tpu.memory_space<vmem>>, vector<1x16xf32>,
      %get3A_62 = vector.shape_cast %get3A_61 : vector<1x16xf32> to vector<16xf32>
      %get3A_63 = arith.index_cast %scan3A_19 : i32 to index
      %get3A_64 = arith.constant 48 : index
      %get3A_65 = tpu.vector_load %arg8[%get3A_63, %get3A_64] {strides = array<i32>} : memref<64x128xf32, #tpu.memory_space<vmem>>, vector<1x16xf32>,
      %get3A_66 = vector.shape_cast %get3A_65 : vector<1x16xf32> to vector<16xf32>
      %add3A_67 = arith.addf %get3A_62, %get3A_66 : vector<16xf32>
      %swap3A_68 = arith.index_cast %scan3A_19 : i32 to index
      %swap3A_69 = arith.constant 48 : index
      %swap3A_70 = tpu.vector_load %arg7[%swap3A_68, %swap3A_69] {strides = array<i32>} : memref<64x128xf32, #tpu.memory_space<vmem>>, vector<1x16xf32>,
      %swap3A_71 = vector.shape_cast %swap3A_70 : vector<1x16xf32> to vector<16xf32>
      %swap3A_72 = vector.shape_cast %add3A_67 : vector<16xf32> to vector<1x16xf32>
      tpu.vector_store %arg7[%swap3A_68, %swap3A_69], %swap3A_72 {strides = array<i32>} : memref<64x128xf32, #tpu.memory_space<vmem>>, vector<1x16xf32>,
      %get3A_73 = arith.index_cast %scan3A_19 : i32 to index
      %get3A_74 = arith.constant 64 : index
      %get3A_75 = tpu.vector_load %arg7[%get3A_73, %get3A_74] {strides = array<i32>} : memref<64x128xf32, #tpu.memory_space<vmem>>, vector<1x16xf32>,
      %get3A_76 = vector.shape_cast %get3A_75 : vector<1x16xf32> to vector<16xf32>
      %get3A_77 = arith.index_cast %scan3A_19 : i32 to index
      %get3A_78 = arith.constant 64 : index
      %get3A_79 = tpu.vector_load %arg8[%get3A_77, %get3A_78] {strides = array<i32>} : memref<64x128xf32, #tpu.memory_space<vmem>>, vector<1x16xf32>,
      %get3A_80 = vector.shape_cast %get3A_79 : vector<1x16xf32> to vector<16xf32>
      %add3A_81 = arith.addf %get3A_76, %get3A_80 : vector<16xf32>
      %swap3A_82 = arith.index_cast %scan3A_19 : i32 to index
      %swap3A_83 = arith.constant 64 : index
      %swap3A_84 = tpu.vector_load %arg7[%swap3A_82, %swap3A_83] {strides = array<i32>} : memref<64x128xf32, #tpu.memory_space<vmem>>, vector<1x16xf32>,
      %swap3A_85 = vector.shape_cast %swap3A_84 : vector<1x16xf32> to vector<16xf32>
      %swap3A_86 = vector.shape_cast %add3A_81 : vector<16xf32> to vector<1x16xf32>
      tpu.vector_store %arg7[%swap3A_82, %swap3A_83], %swap3A_86 {strides = array<i32>} : memref<64x128xf32, #tpu.memory_space<vmem>>, vector<1x16xf32>,
      %get3A_87 = arith.index_cast %scan3A_19 : i32 to index
      %get3A_88 = arith.constant 80 : index
      %get3A_89 = tpu.vector_load %arg7[%get3A_87, %get3A_88] {strides = array<i32>} : memref<64x128xf32, #tpu.memory_space<vmem>>, vector<1x16xf32>,
      %get3A_90 = vector.shape_cast %get3A_89 : vector<1x16xf32> to vector<16xf32>
      %get3A_91 = arith.index_cast %scan3A_19 : i32 to index
      %get3A_92 = arith.constant 80 : index
      %get3A_93 = tpu.vector_load %arg8[%get3A_91, %get3A_92] {strides = array<i32>} : memref<64x128xf32, #tpu.memory_space<vmem>>, vector<1x16xf32>,
      %get3A_94 = vector.shape_cast %get3A_93 : vector<1x16xf32> to vector<16xf32>
      %add3A_95 = arith.addf %get3A_90, %get3A_94 : vector<16xf32>
      %swap3A_96 = arith.index_cast %scan3A_19 : i32 to index
      %swap3A_97 = arith.constant 80 : index
      %swap3A_98 = tpu.vector_load %arg7[%swap3A_96, %swap3A_97] {strides = array<i32>} : memref<64x128xf32, #tpu.memory_space<vmem>>, vector<1x16xf32>,
      %swap3A_99 = vector.shape_cast %swap3A_98 : vector<1x16xf32> to vector<16xf32>
      %swap3A_100 = vector.shape_cast %add3A_95 : vector<16xf32> to vector<1x16xf32>
      tpu.vector_store %arg7[%swap3A_96, %swap3A_97], %swap3A_100 {strides = array<i32>} : memref<64x128xf32, #tpu.memory_space<vmem>>, vector<1x16xf32>,
      %get3A_101 = arith.index_cast %scan3A_19 : i32 to index
      %get3A_102 = arith.constant 96 : index
      %get3A_103 = tpu.vector_load %arg7[%get3A_101, %get3A_102] {strides = array<i32>} : memref<64x128xf32, #tpu.memory_space<vmem>>, vector<1x16xf32>,
      %get3A_104 = vector.shape_cast %get3A_103 : vector<1x16xf32> to vector<16xf32>
      %get3A_105 = arith.index_cast %scan3A_19 : i32 to index
      %get3A_106 = arith.constant 96 : index
      %get3A_107 = tpu.vector_load %arg8[%get3A_105, %get3A_106] {strides = array<i32>} : memref<64x128xf32, #tpu.memory_space<vmem>>, vector<1x16xf32>,
      %get3A_108 = vector.shape_cast %get3A_107 : vector<1x16xf32> to vector<16xf32>
      %add3A_109 = arith.addf %get3A_104, %get3A_108 : vector<16xf32>
      %swap3A_110 = arith.index_cast %scan3A_19 : i32 to index
      %swap3A_111 = arith.constant 96 : index
      %swap3A_112 = tpu.vector_load %arg7[%swap3A_110, %swap3A_111] {strides = array<i32>} : memref<64x128xf32, #tpu.memory_space<vmem>>, vector<1x16xf32>,
      %swap3A_113 = vector.shape_cast %swap3A_112 : vector<1x16xf32> to vector<16xf32>
      %swap3A_114 = vector.shape_cast %add3A_109 : vector<16xf32> to vector<1x16xf32>
      tpu.vector_store %arg7[%swap3A_110, %swap3A_111], %swap3A_114 {strides = array<i32>} : memref<64x128xf32, #tpu.memory_space<vmem>>, vector<1x16xf32>,
      %get3A_115 = arith.index_cast %scan3A_19 : i32 to index
      %get3A_116 = arith.constant 112 : index
      %get3A_117 = tpu.vector_load %arg7[%get3A_115, %get3A_116] {strides = array<i32>} : memref<64x128xf32, #tpu.memory_space<vmem>>, vector<1x16xf32>,
      %get3A_118 = vector.shape_cast %get3A_117 : vector<1x16xf32> to vector<16xf32>
      %get3A_119 = arith.index_cast %scan3A_19 : i32 to index
      %get3A_120 = arith.constant 112 : index
      %get3A_121 = tpu.vector_load %arg8[%get3A_119, %get3A_120] {strides = array<i32>} : memref<64x128xf32, #tpu.memory_space<vmem>>, vector<1x16xf32>,
      %get3A_122 = vector.shape_cast %get3A_121 : vector<1x16xf32> to vector<16xf32>
      %add3A_123 = arith.addf %get3A_118, %get3A_122 : vector<16xf32>
      %swap3A_124 = arith.index_cast %scan3A_19 : i32 to index
      %swap3A_125 = arith.constant 112 : index
      %swap3A_126 = tpu.vector_load %arg7[%swap3A_124, %swap3A_125] {strides = array<i32>} : memref<64x128xf32, #tpu.memory_space<vmem>>, vector<1x16xf32>,
      %swap3A_127 = vector.shape_cast %swap3A_126 : vector<1x16xf32> to vector<16xf32>
      %swap3A_128 = vector.shape_cast %add3A_123 : vector<16xf32> to vector<1x16xf32>
      tpu.vector_store %arg7[%swap3A_124, %swap3A_125], %swap3A_128 {strides = array<i32>} : memref<64x128xf32, #tpu.memory_space<vmem>>, vector<1x16xf32>,
    }
    %scan3A_18 = arith.constant 64 : i32
    "tpu.region"() ({
      %run_scoped3A = tpu.sem_alloc : memref<!tpu.dma_semaphore, #tpu.memory_space<semaphore_mem>>
      %dma_start3A_19 = arith.constant 0 : i32
      %dma_start3A_20 = tpu.memref_slice %arg5[%min3A_1, %dma_start3A_19] : memref<1000x128xf32, #tpu.memory_space<hbm>> -> memref<64x128xf32, #tpu.memory_space<hbm>>
      %dma_start3A_21 = arith.constant 0 : i32
      %dma_start3A_22 = tpu.memref_slice %arg5[%min3A_1, %dma_start3A_21] : memref<1000x128xf32, #tpu.memory_space<hbm>> -> memref<64x128xf32, #tpu.memory_space<hbm>>
      tpu.enqueue_dma source(%arg7 : memref<64x128xf32, #tpu.memory_space<vmem>>) target(%dma_start3A_22 : memref<64x128xf32, #tpu.memory_space<hbm>>) target_semaphore(%run_scoped3A : memref<!tpu.dma_semaphore, #tpu.memory_space<semaphore_mem>>)
      %dma_wait3A_23 = arith.constant 0 : i32
      %dma_wait3A_24 = tpu.memref_slice %arg5[%min3A_1, %dma_wait3A_23] : memref<1000x128xf32, #tpu.memory_space<hbm>> -> memref<64x128xf32, #tpu.memory_space<hbm>>
      %dma_wait3A_25 = arith.constant 0 : i32
      %dma_wait3A_26 = tpu.memref_slice %arg5[%min3A_1, %dma_wait3A_25] : memref<1000x128xf32, #tpu.memory_space<hbm>> -> memref<64x128xf32, #tpu.memory_space<hbm>>
      tpu.wait_dma2 semaphore(%run_scoped3A : memref<!tpu.dma_semaphore, #tpu.memory_space<semaphore_mem>>) src(%arg7 : memref<64x128xf32, #tpu.memory_space<vmem>>) dst(%dma_wait3A_26 : memref<64x128xf32, #tpu.memory_space<hbm>>)
      tpu.yield
    }) : () -> ()
    return
  }
}

</mosaic_0001>

<sc_bundles>
// kernel: kernel.3.cloned.1.call-start
scs
__scs_entry_jumppad:
0x0: {  	(pc) =	sbr.rel $0x88, $3  }
0x1: {  	(tag) =	ssettag $0x0;
	lr =	simm.s32 $0x1  }
0x2: {  	[smem:$0x3F9E] =	sst lr;
	_ =	strace $0xD0000000  }
0x3: {  	_ = 	snop  }
0x4: {  	_ = 	snop  }
0x5: {  	_ = 	snop  }
0x6: {  	_ = 	snop  }
0x7: {  	_ = 	snop  }
__scs_overlays_trampoline_lowered:
0x8: {  	[smem:$0x3FAD] =	sst s0  }
0x9: {  	[smem:$0x3FAE] =	sst s1  }
0xa: {  	[smem:$0x3FAF] =	sst s2  }
0xb: {  	[smem:$0x3FB0] =	sst s3  }
0xc: {  	[smem:$0x3FB1] =	sst s4  }
0xd: {  	[smem:$0x3FB2] =	sst s5  }
0xe: {  	[smem:$0x3FB3] =	sst s6  }
0xf: {  	[smem:$0x3FB4] =	sst s7  }
0x10: {  	[smem:$0x3FB5] =	sst s8  }
0x11: {  	[smem:$0x3FB6] =	sst s9;
	s0 =	simm.s32 @!p0 $0x0  }
0x12: {  	s1 =	sld [smem:$0x3F9C];
	s0 =	simm.s32 @p0 $0x1  }
0x13: {  	[smem:$0x3FB7] =	sst s0;
	s0 =	simm.s32 @!p1 $0x0  }
0x14: {  	s2 =	sld [smem:$0x3F9B];
	s0 =	simm.s32 @p1 $0x1  }
0x15: {  	[smem:$0x3FB8] =	sst s0;
	s0 =	simm.s32 @!p2 $0x0  }
0x16: {  	s3 =	sld [smem:$0x3FDB];
	s0 =	simm.s32 @p2 $0x1  }
0x17: {  	s4 =	simm.s32 $0x1BF5;
	[smem:$0x3FBA] =	sst s0  }
0x18: {  	s0 =	sld [smem:$0x3F9D];
	_ =	swait.ge [sflag:s4], $0x0  }
0x19: {  	s7 =	sld [smem:$0x3F9E]  }
0x1a: {  	s8 =	sadd.s32 $0xFFFFE003, lr  }
0x1b: {  	s9 =	sadd.s32 $0xFFFFFEF7, lr;
	s5 =	simm.s32 $0xFFFFFFFF;
	p2 =	slt.u32 s8, $0xFFFFF086  }
0x1c: {  	p1 =	slt.u32 s9, $0xF7A;
	s5 =	simm.s32 @!p2 $0x0  }
0x1d: {  	s5 =	simm.s32 @p1 $0x1;
	p0 =	seq.s32 s7, s2  }
0x1e: {  	s7 =	smul.u32 @!p0 $0xF7A, s2;
	p2 =	seq.s32 @!p0 s5, $0x0  }
0x1f: {  	s9 =	smul.u32 $0xF7A, s1;
	s8 =	simm.s32 @!p0 $0x1BF5;
	p2 =	por !p2, p0  }
0x20: {  	[sflag:s8] =	ssyncset.s32 @!p0 $0xFFFFF086;
	s6 =	sadd.s32 @!p0 s3, s7;
	s7 =	simm.s32 @!p0 $0x108  }
0x21: {  	s3 =	sadd.s32 s3, s9;
	s6 =	sadd.s32 @!p0 $0x88, s6;
	s7 =	simm.s32 @p2 $0x1082  }
0x22: {  	[simem:s7], [sflag:s8] =	dma.local @!p0 [hbm:s6], $0xF7A  }
0x23: {  	s9 =	sor.u32 $0xD0000000, s2;
	s6 =	simm.s32 $0x108;
	_ =	swait.ge @!p0 [sflag:s8], $0x0  }
0x24: {  	s3 =	sadd.s32 $0x88, s3;
	s6 =	simm.s32 @!p1 $0x1082;
	[sflag:s4] =	ssyncset.s32 $0xFFFFF086  }
0x25: {  	[simem:s6], [sflag:s4] =	dma.local [hbm:s3], $0xF7A  }
0x26: {  	[smem:$0x3F9E] =	sst s1;
	(tag) =	ssettag s2;
	_ =	strace s9  }
0x27: {  	s1 =	sld [smem:$0x3FAE]  }
0x28: {  	s2 =	sld [smem:$0x3FAF]  }
0x29: {  	s4 =	sld [smem:$0x3FB1]  }
0x2a: {  	p0 =	seq.s32 s5, $0x0;
	s5 =	sld [smem:$0x3FB2]  }
0x2b: {  	s6 =	sld [smem:$0x3FB3]  }
0x2c: {  	s7 =	sld [smem:$0x3FB4]  }
0x2d: {  	s3 =	simm.s32 $0x108;
	s8 =	sld [smem:$0x3FB5]  }
0x2e: {  	s3 =	simm.s32 @!p0 $0x1082;
	s9 =	sld [smem:$0x3FB6]  }
0x2f: {  	lr =	sadd.s32 s0, s3;
	s0 =	sld [smem:$0x3FAD]  }
0x30: {  	s3 =	sld [smem:$0x3FB0]  }
0x31: {  	[smem:$0x3FB9] =	sst s10  }
0x32: {  	s10 =	sld [smem:$0x3FB7];
	_ =	sdelay $0x3  }
0x33: {  	p0 =	seq.s32 s10, $0x1;
	s10 =	sld [smem:$0x3FB9];
	_ =	sdelay $0x3  }
0x34: {  	[smem:$0x3FB9] =	sst s10  }
0x35: {  	s10 =	sld [smem:$0x3FB8];
	_ =	sdelay $0x3  }
0x36: {  	p1 =	seq.s32 s10, $0x1;
	s10 =	sld [smem:$0x3FB9];
	_ =	sdelay $0x3  }
0x37: {  	[smem:$0x3FB9] =	sst s10  }
0x38: {  	s10 =	sld [smem:$0x3FBA]  }
0x39: {  	_ = 	snop;
	(pc) =	sbr.ind lr, $3  }
0x3a: {  	_ = 	snop  }
0x3b: {  	_ = 	snop  }
0x3c: {  	p2 =	seq.s32 s10, $0x1;
	s10 =	sld [smem:$0x3FB9]  }
0x3d: {  	_ =	shalt  }
0x3e: {  	_ =	shalt  }
0x3f: {  	_ =	shalt  }
0x40: {  	_ =	shalt  }
0x41: {  	_ =	shalt  }
0x42: {  	_ =	shalt  }
0x43: {  	_ =	shalt  }
0x44: {  	_ =	shalt  }
0x45: {  	_ =	shalt  }
0x46: {  	_ =	shalt  }
0x47: {  	_ =	shalt  }
0x48: {  	_ =	shalt  }
0x49: {  	_ =	shalt  }
0x4a: {  	_ =	shalt  }
0x4b: {  	_ =	shalt  }
0x4c: {  	_ =	shalt  }
0x4d: {  	_ =	shalt  }
0x4e: {  	_ =	shalt  }
0x4f: {  	_ =	shalt  }
0x50: {  	_ =	shalt  }
0x51: {  	_ =	shalt  }
0x52: {  	_ =	shalt  }
0x53: {  	_ =	shalt  }
0x54: {  	_ =	shalt  }
0x55: {  	_ =	shalt  }
0x56: {  	_ =	shalt  }
0x57: {  	_ =	shalt  }
0x58: {  	_ =	shalt  }
0x59: {  	_ =	shalt  }
0x5a: {  	_ =	shalt  }
0x5b: {  	_ =	shalt  }
0x5c: {  	_ =	shalt  }
0x5d: {  	_ =	shalt  }
0x5e: {  	_ =	shalt  }
0x5f: {  	_ =	shalt  }
0x60: {  	_ =	shalt  }
0x61: {  	_ =	shalt  }
0x62: {  	_ =	shalt  }
0x63: {  	_ =	shalt  }
0x64: {  	_ =	shalt  }
0x65: {  	_ =	shalt  }
0x66: {  	_ =	shalt  }
0x67: {  	_ =	shalt  }
0x68: {  	_ =	shalt  }
0x69: {  	_ =	shalt  }
0x6a: {  	_ =	shalt  }
0x6b: {  	_ =	shalt  }
0x6c: {  	_ =	shalt  }
0x6d: {  	_ =	shalt  }
0x6e: {  	_ =	shalt  }
0x6f: {  	_ =	shalt  }
0x70: {  	_ =	shalt  }
0x71: {  	_ =	shalt  }
0x72: {  	_ =	shalt  }
0x73: {  	_ =	shalt  }
0x74: {  	_ =	shalt  }
0x75: {  	_ =	shalt  }
0x76: {  	_ =	shalt  }
0x77: {  	_ =	shalt  }
0x78: {  	_ =	shalt  }
0x79: {  	_ =	shalt  }
0x7a: {  	_ =	shalt  }
0x7b: {  	_ =	shalt  }
0x7c: {  	_ =	shalt  }
0x7d: {  	_ =	shalt  }
0x7e: {  	_ =	shalt  }
0x7f: {  	_ =	shalt  }
0x80: {  	_ =	shalt  }
0x81: {  	_ =	shalt  }
0x82: {  	_ =	shalt  }
0x83: {  	_ =	shalt  }
0x84: {  	_ =	shalt  }
0x85: {  	_ =	shalt  }
0x86: {  	_ =	shalt  }
0x87: {  	_ =	shalt  }
.Lfunc_end0:
.L_simem_size_0:
called_computation_lowered:
.L_overlay_start_0:
0x88: {  	s0 =	sld [smem:$0x3FD9]  }
0x89: {  	s1 =	sld [smem:$0x3FFE];
	_ =	sdelay $0x3  }
0x8a: {  	s0 =	sadd.s32 s1, s0  }
0x8b: {  	[smem:$0x3FC5] =	sst s0  }
0x8c: {  	_ = 	snop  }
0x8d: {  	s0 =	sld [smem:$0x3FC9]  }
0x8e: {  	s17 =	sld [smem:$0x3FC8]  }
0x8f: {  	s2 =	sld [smem:$0x3FC7]  }
0x90: {  	s3 =	sld [smem:$0x3FD0];
	(tm) =	ssettm $0x1  }
0x91: {  	s4 =	sld [smem:$0x3FFB];
	_ =	sdelay $0x3  }
0x92: {  	_ =	strace s4  }
0x93: {  	s4 =	sld [smem:$0x3FFC];
	_ =	sdelay $0x3  }
0x94: {  	_ =	strace s4  }
0x95: {  	s4 =	sld [smem:$0x3FFD];
	_ =	sdelay $0x3  }
0x96: {  	_ =	strace s4  }
0x97: {  	_ =	strace $0x8FFFFFFF  }
0x98: {  	s18 =	sld [smem:$0x3FDB];
	_ =	sdelay $0x1  }
0x99: {  	s5 =	simm.s32 $_scs_section_size  }
0x9a: {  	s6 =	simm.s32 $_size__tile_overlayer_lowered;
	s7 =	simm.s32 $_tile_overlayer_lowered  }
0x9b: {  	s21 =	simm.s32 $0x1BFF;
	s20 =	sshll.u32 s7, $0x1;
	s4 =	sadd.s32 s5, s18  }
0x9c: {  	s8 =	simm.s32 $0x0;
	s19 =	sshll.u32 s6, $0x1;
	s6 =	sadd.s32 s20, s4  }
0x9d: {  	[timem:s8], [sflag:s21] =	dma.local [hbm:s6], s19  }
0x9e: {  	_ =	swait.ge [sflag:s21], s19  }
0x9f: {  	s5 =	ssub.s32 $0x0, s19;
	[sflag:s21] =	ssyncset.done $0x0  }
0xa0: {  	[sflag:s21] =	ssyncadd.s32 s5;
	_ =	sdelay $0x1  }
0xa1: {  	s22 =	simm.s32 $0x1B8B  }
0xa2: {  	_ =	swait.ge [sflag:s22], $0x1  }
0xa3: {  	[sflag:s22] =	ssyncset.done $0x0  }
0xa4: {  	s23 =	simm.s32 $0x1B8E;
	[sflag:s22] =	ssyncadd.s32 $0xFFFFFFFF  }
0xa5: {  	s24 =	simm.s32 $execute0_lowered;
	[smem:$0x3FD2] =	sst s23  }
0xa6: {  	s5 =	sshll.u32 s24, $0x1;
	_ =	strace $0x80000046;
	[dreg:$0x1] =	wrdreg $0xFFFFFFFF  }
0xa7: {  	s25 =	simm.s32 $_size_execute0_lowered;
	s4 =	sadd.s32 s4, s5;
	[dreg:$0x0] =	wrdreg $0x0  }
0xa8: {  	s5 =	sshll.u32 s25, $0x1;
	[dreg:$0x2] =	wrdreg s4  }
0xa9: {  	[dreg:$0x3] =	wrdreg s5  }
0xaa: {  	[dreg:$0x4] =	wrdreg $0xC0  }
0xab: {  	_ =	task [dreg:s8], $0x5FFFF  }
0xac: {  	[dreg:$0x1] =	wrdreg $0xFFFFFFFF  }
0xad: {  	[dreg:$0x0] =	wrdreg $0x60  }
0xae: {  	[dreg:$0x2] =	wrdreg s0  }
0xaf: {  	[dreg:$0x3] =	wrdreg s17  }
0xb0: {  	[dreg:$0x4] =	wrdreg s2  }
0xb1: {  	[dreg:$0x5] =	wrdreg s3  }
0xb2: {  	[dreg:$0x6] =	wrdreg $0x9  }
0xb3: {  	_ =	task.clear_ibuf [dreg:s8], $0x7FFFF;
	_ =	strace $0x90000046  }
0xb4: {  	s26 =	simm.s32 $0x9;
	_ =	strace $0x80000048  }
0xb5: {  	_ =	swait.ge [sflag:s26], $0x1  }
0xb6: {  	[sflag:s26] =	ssyncadd.s32 $0xFFFFFFFF  }
0xb7: {  	_ =	strace $0x90000048  }
0xb8: {  	_ =	sfence  }
0xb9: {  	s28 =	sld [smem:$0x0];
	_ =	sdelay $0x1  }
0xba: {  	s29 =	srdreg.scid  }
0xbb: {  	s30 =	sshll.u32 s29, $0xD;
	s31 =	sshrl.u32 s29, $0x2  }
0xbc: {  	s1 =	sand.u32 $0x1, s29;
	s2 =	sand.u32 $0x4000, s30;
	s0 =	sadd.s32 s31, s28  }
0xbd: {  	s1 =	sor.u32 s2, s1;
	s0 =	sshll.u32 s0, $0x11  }
0xbe: {  	s0 =	sor.u32 s0, s1  }
0xbf: {  	s0 =	sadd.s32 $0x8F2B, s0  }
0xc0: {  	[sflag:s0] =	ssyncadd.remote.s32 $0x1  }
0xc1: {  	_ =	sfence.sel $0xFFFF  }
0xc2: {  	[dreg:$0x0] =	wrdreg $0xFFFFFFFF;
	(pc) =	sbr.abs _section_cstart, $3  }
0xc3: {  	[dreg:$0x1] =	wrdreg $0xFFFFFFFF  }
0xc4: {  	_ =	task.clear_ibuf [dreg:s8], $0x2FFFF;
	_ =	strace $0x9FFFFFFF  }
0xc5: {  	(tm) =	ssettm $0x7FFFFFFF  }
tec
execute0_lowered:
.L_overlay_start_1:
0x0: {  	(tag) =	ssettag $0x1  }
0x1: {  	s4 =	rddreg [dreg:$0x0]  }
0x2: {  	s5 =	rddreg [dreg:$0x1]  }
0x3: {  	s6 =	rddreg [dreg:$0x2];
	s0 =	stileid.u32  }
0x4: {  	s2 =	rddreg [dreg:$0x3];
	s3 =	sshll.u32 s0, $0x6  }
0x5: {  	s1 =	rddreg [dreg:$0x4];
	s7 =	simm.s32 $0x0;
	s8 =	smin.u32 s3, $0x3A8  }
0x6: {  	s9 =	simm.s32 $0x2080;
	[smem:$0x7FF] =	sst s7;
	s3 =	sshll.u32 s8, $0x4  }
0x7: {  	_ =	strace $0x80000047;
	s25 =	sshrl.u32 s8, $0x3;
	s6 =	sadd.s32 s6, s3  }
0x8: {  	[tilespmem:s9], [sflag:$0x2] =	stream.linear.gather [hbm4b:s6+s7], $0x2000, $0x38;
	[tilespmem:$0x4080] =	vst v63  }
0x9: {  	s26 =	simm.s32 $0x3;
	s4 =	sadd.s32 s4, s25  }
0xa: {  	[tilespmem:s7], [sflag:$0x3] =	stream.linear.gather [hbm4b:s4+s7], $0x40, $0x38;
	[tilespmem:$0x4080] =	vst v63  }
0xb: {  	_ =	swait.ge [sflag:s26], $0x40  }
0xc: {  	s28 =	simm.s32 $0x40;
	[sflag:s26] =	ssyncset.done $0x0  }
0xd: {  	s29 =	simm.s32 $0x80;
	s30 =	simm.s32 $0x2;
	[sflag:s26] =	ssyncadd.s32 $0xFFFFFFC0  }
0xe: {  	[tilespmem:s29], [sflag:$0x1] =	stream.indirect.gather [hbm4b:s5+s28], $0x80, s7, s28, $0xb8;
	[tilespmem:$0x4080] =	vst v63  }
0xf: {  	_ =	swait.ge [sflag:s30], $0x2000  }
0x10: {  	[sflag:s30] =	ssyncset.done $0x0  }
0x11: {  	s31 =	simm.s32 $0x1;
	[sflag:s30] =	ssyncadd.s32 $0xFFFFE000  }
0x12: {  	_ =	swait.ge [sflag:s31], $0x2000  }
0x13: {  	[sflag:s31] =	ssyncset.done $0x0  }
0x14: {  	s4 =	simm.s32 $0x0;
	[sflag:s31] =	ssyncadd.s32 $0xFFFFE000  }
0x15: {  	v7 =	vld [tilespmem:s4+$0x2080]  }
0x16: {  	v11 =	vld [tilespmem:s4+$0x2090]  }
0x17: {  	v5 =	vld [tilespmem:s4+$0x20A0]  }
0x18: {  	v4 =	vld [tilespmem:s4+$0x20B0]  }
0x19: {  	v3 =	vld [tilespmem:s4+$0x20C0]  }
0x1a: {  	v2 =	vld [tilespmem:s4+$0x20D0]  }
0x1b: {  	v1 =	vld [tilespmem:s4+$0x20E0]  }
0x1c: {  	v0 =	vld [tilespmem:s4+$0x20F0]  }
0x1d: {  	v12 =	vld [tilespmem:s4+$0x80]  }
0x1e: {  	v13 =	vld [tilespmem:s4+$0x90]  }
0x1f: {  	v10 =	vld [tilespmem:s4+$0xA0]  }
0x20: {  	v9 =	vld [tilespmem:s4+$0xB0]  }
0x21: {  	v8 =	vld [tilespmem:s4+$0xC0]  }
0x22: {  	v6 =	vld [tilespmem:s4+$0xD0];
	v12 =	vadd.f32 v7, v12  }
0x23: {  	s5 =	simm.s32 $0x200;
	v11 =	vadd.f32 v11, v13;
	v7 =	vld [tilespmem:s4+$0xE0]  }
.LBB2_1:
0x24: {  	s6 =	sshra.s32 s5, $0x2;
	p0 =	sne.s32 s5, $0x7E00;
	[tilespmem:s4+$0x80] =	vst v12;
	v5 =	vadd.f32 v5, v10;
	v10 =	vld [tilespmem:s4+$0xF0]  }
0x25: {  	v12 =	vld [tilespmem:s6+$0x2080];
	[tilespmem:s4+$0x90] =	vst v11;
	v4 =	vadd.f32 v4, v9  }
0x26: {  	v11 =	vld [tilespmem:s6+$0x2090];
	[tilespmem:s4+$0xA0] =	vst v5;
	v3 =	vadd.f32 v3, v8  }
0x27: {  	v5 =	vld [tilespmem:s6+$0x20A0];
	[tilespmem:s4+$0xB0] =	vst v4;
	v2 =	vadd.f32 v2, v6  }
0x28: {  	v4 =	vld [tilespmem:s6+$0x20B0];
	[tilespmem:s4+$0xC0] =	vst v3;
	v1 =	vadd.f32 v1, v7  }
0x29: {  	v3 =	vld [tilespmem:s6+$0x20C0];
	[tilespmem:s4+$0xD0] =	vst v2;
	v0 =	vadd.f32 v0, v10  }
0x2a: {  	v2 =	vld [tilespmem:s6+$0x20D0];
	[tilespmem:s4+$0xE0] =	vst v1  }
0x2b: {  	v1 =	vld [tilespmem:s6+$0x20E0];
	[tilespmem:s4+$0xF0] =	vst v0;
	s4 =	smov.u32 s6  }
0x2c: {  	v0 =	vld [tilespmem:s4+$0x20F0]  }
0x2d: {  	v6 =	vld [tilespmem:s4+$0x80]  }
0x2e: {  	v7 =	vld [tilespmem:s4+$0x90]  }
.Ltmp0:
0x2f: {  	v10 =	vld [tilespmem:s4+$0xA0];
	(pc) =	sbr.rel @p0 .LBB2_1-.Ltmp0, $4  }
0x30: {  	v9 =	vld [tilespmem:s4+$0xB0]  }
0x31: {  	v8 =	vld [tilespmem:s4+$0xC0]  }
0x32: {  	v12 =	vadd.f32 v12, v6;
	v6 =	vld [tilespmem:s4+$0xD0]  }
0x33: {  	s5 =	sadd.s32 $0x200, s5;
	v11 =	vadd.f32 v11, v7;
	v7 =	vld [tilespmem:s4+$0xE0]  }
0x34: {  	[tilespmem:s4+$0x80] =	vst v12;
	v5 =	vadd.f32 v5, v10;
	v63 =	vld [tilespmem:s4+$0xF0]  }
0x35: {  	[tilespmem:s4+$0x90] =	vst v11;
	v4 =	vadd.f32 v4, v9  }
0x36: {  	[tilespmem:s4+$0xA0] =	vst v5;
	v3 =	vadd.f32 v3, v8  }
0x37: {  	[tilespmem:s4+$0xB0] =	vst v4;
	v2 =	vadd.f32 v2, v6  }
0x38: {  	[tilespmem:s4+$0xC0] =	vst v3;
	v1 =	vadd.f32 v1, v7  }
0x39: {  	[tilespmem:s4+$0xD0] =	vst v2;
	v0 =	vadd.f32 v0, v63  }
0x3a: {  	s2 =	sadd.s32 s2, s3;
	[tilespmem:s4+$0xE0] =	vst v1  }
0x3b: {  	s29 =	simm.s32 $0x0;
	s30 =	simm.s32 $0x80;
	s31 =	simm.s32 $0x3;
	[tilespmem:s4+$0xF0] =	vst v0  }
0x3c: {  	[hbm4b:s2+s29] =	stream.linear.scatter [tilespmem:s30], [sflag:$0x3], $0x2000, $0x38;
	[tilespmem:$0x4080] =	vst v63  }
0x3d: {  	_ =	swait.ge [sflag:s31], $0x2000  }
0x3e: {  	[sflag:s31] =	ssyncset.done $0x0  }
0x3f: {  	[sflag:s31] =	ssyncadd.s32 $0xFFFFE000  }
0x40: {  	_ =	sfence.sel $0x180000  }
0x41: {  	[bflag:$0x0] =	sbarrier.arrive $0xFFFF  }
0x42: {  	p0 =	sne.s32 s0, $0x0;
	_ =	strace $0x90000047  }
0x43: {  	s0 =	sadd.s32 @!p0 $0x100000, s1;
	[bflag:$0x2] =	sbarrier.arrive $0xFFFF  }
0x44: {  	[sflag:s0] =	ssyncadd.tile.s32 @!p0 $0x1;
	_ =	shalt  }
.Lfunc_end2:
_tile_overlayer_lowered:
.L_overlay_start_2:
0x45: {  	(tag) =	ssettag $0x2  }
0x46: {  	s0 =	rddreg [dreg:$0x0];
	s2 =	stileid.u32  }
0x47: {  	s1 =	rddreg [dreg:$0x1];
	p0 =	sne.s32 s2, $0x0  }
0x48: {  	s3 =	rddreg [dreg:$0x2];
	[bflag:$0x3] =	sbarrier.arrive $0xFFFF;
	s2 =	simm.s32 @!p0 $0x1C03  }
0x49: {  	[timem:s3], [sflag:s2] =	dma.local @!p0 [hbm:s0], s1  }
0x4a: {  	s0 =	simm.s32 @!p0 $0x3  }
0x4b: {  	_ =	swait.ge @!p0 [sflag:s0], s1  }
0x4c: {  	s1 =	ssub.s32 @!p0 $0x0, s1;
	[sflag:s0] =	ssyncset.done @!p0 $0x0  }
0x4d: {  	[sflag:s0] =	ssyncadd.s32 @!p0 s1  }
0x4e: {  	[bflag:$0x3] =	sbarrier.arrive $0xFFFF  }
0x4f: {  	_ =	shalt  }

</sc_bundles>
